<compile_context>
chip_gen: v7x
topology: tpu7x:2x2x1
jax: 0.10.2.dev20260603
libtpu: 0.0.44.dev20260713+nightly
codegen_flags: <defaults>
</compile_context>

<pallas_src>
import functools

import jax
import jax.numpy as jnp
from jax import lax
from jax.experimental import pallas as pl
from jax.experimental.pallas import tpu as pltpu
from jax.experimental.pallas import tpu_sc as plsc


def _make_gather(B, D, chunk, nbuf):
    info = plsc.get_sparse_core_info()
    NC, NS = info.num_cores, info.num_subcores
    NW = NC * NS
    b_per_w = B // NW
    n_chunks = b_per_w // chunk
    assert b_per_w % chunk == 0 and n_chunks % nbuf == 0
    mesh = plsc.VectorSubcoreMesh(core_axis_name="c", subcore_axis_name="s")

    scratch = [pltpu.VMEM((b_per_w,), jnp.int32)]
    scratch += [pltpu.VMEM((chunk, D), jnp.float32) for _ in range(nbuf)]
    scratch += [pltpu.SemaphoreType.DMA for _ in range(2 * nbuf)]

    @functools.partial(
        pl.kernel,
        mesh=mesh,
        out_type=jax.ShapeDtypeStruct((B, D), jnp.float32),
        scratch_types=scratch,
        compiler_params=pltpu.CompilerParams(use_tc_tiling_on_sc=False),
    )
    def gather_kernel(table_hbm, idx_hbm, out_hbm, idx_v, *rest):
        bufs = rest[:nbuf]
        gsems = rest[nbuf : 2 * nbuf]
        wsems = rest[2 * nbuf : 3 * nbuf]
        wid = lax.axis_index("s") * NC + lax.axis_index("c")
        base = wid * b_per_w
        pltpu.sync_copy(idx_hbm.at[pl.ds(base, b_per_w)], idx_v)

        def ring(c0):
            gs = []
            for b in range(nbuf):
                c = c0 + b
                gs.append(
                    pltpu.async_copy(
                        table_hbm.at[idx_v.at[pl.ds(c * chunk, chunk)]],
                        bufs[b],
                        gsems[b],
                    )
                )
            ws = []
            for b in range(nbuf):
                c = c0 + b
                gs[b].wait()
                ws.append(
                    pltpu.async_copy(
                        bufs[b],
                        out_hbm.at[pl.ds(base + c * chunk, chunk)],
                        wsems[b],
                    )
                )
            for w in ws:
                w.wait()

        pl.loop(0, n_chunks, step=nbuf)(ring)

    return gather_kernel


def kernel(input, table):
    seq, batch, _ = input.shape
    vocab, dim = table.shape
    B = seq * batch
    chunk, nbuf = 128, 5
    idx1d = input.reshape(B)
    out = _make_gather(B, dim, chunk, nbuf)(table, idx1d)
    return out.reshape(seq, batch, dim)

# --- scband reference (transcript-rebuilt; emitter-appended) ---
"""Pipeline reference for scband-embeddings-87625922773541 (READ-ONLY COPY).

The authoritative reference and input builder live on the scoring server;
editing this copy changes nothing except your own understanding.
"""

import jax, jax.numpy as jnp
import numpy as np

VOCAB = 1000000
DIM = 64
SEQ = 200
BATCH = 1024
PAD_IDX = 0

def setup_inputs(seed: int = 0) -> dict:
    key = jax.random.key(seed)
    k1, k2 = jax.random.split(key)
    # input: LongTensor [len, batch, nfeat=1]
    inp = jax.random.randint(k1, (SEQ, BATCH, 1), 0, VOCAB, dtype=jnp.int32)
    # word embedding table (nn.Embedding weight), padding row zeroed like padding_idx
    table = jax.random.normal(k2, (VOCAB, DIM), dtype=jnp.float32)
    table = table.at[PAD_IDX].set(0.0)
    return {"input": inp, "table": table}

def reference(input, table):
    # forward: split features along dim 2 -> one feature, Elementwise(merge='first')
    # selects output of the single word embedding lookup.
    idx = input[:, :, 0]                      # [len, batch]
    emb = jnp.take(table, idx, axis=0)        # [len, batch, dim]
    # feat_merge='concat' with no extra features and position_encoding=False,
    # dropout p=0.0 -> identity; output is the embedding directly.
    return emb

if __name__ == "__main__":
    import jax
    _d = setup_inputs()
    print(jax.jit(kernel)(*tuple(_d.values())))

</pallas_src>

<mosaic_0001>
#map = affine_map<(d0, d1) -> (0, 0)>
#map1 = affine_map<(d0, d1) -> (0)>
module attributes {stable_mosaic.version = 14 : i64} {
  func.func @gather_kernel(%arg0: i32, %arg1: i32, %arg2: memref<1000000x64xf32, #tpu.memory_space<hbm>>, %arg3: memref<204800xi32, #tpu.memory_space<hbm>>, %arg4: memref<204800x64xf32, #tpu.memory_space<hbm>>, %arg5: memref<6400xi32, #tpu.memory_space<vmem>>, %arg6: memref<128x64xf32, #tpu.memory_space<vmem>>, %arg7: memref<128x64xf32, #tpu.memory_space<vmem>>, %arg8: memref<128x64xf32, #tpu.memory_space<vmem>>, %arg9: memref<128x64xf32, #tpu.memory_space<vmem>>, %arg10: memref<128x64xf32, #tpu.memory_space<vmem>>, %arg11: memref<!tpu.dma_semaphore, #tpu.memory_space<semaphore_mem>>, %arg12: memref<!tpu.dma_semaphore, #tpu.memory_space<semaphore_mem>>, %arg13: memref<!tpu.dma_semaphore, #tpu.memory_space<semaphore_mem>>, %arg14: memref<!tpu.dma_semaphore, #tpu.memory_space<semaphore_mem>>, %arg15: memref<!tpu.dma_semaphore, #tpu.memory_space<semaphore_mem>>, %arg16: memref<!tpu.dma_semaphore, #tpu.memory_space<semaphore_mem>>, %arg17: memref<!tpu.dma_semaphore, #tpu.memory_space<semaphore_mem>>, %arg18: memref<!tpu.dma_semaphore, #tpu.memory_space<semaphore_mem>>, %arg19: memref<!tpu.dma_semaphore, #tpu.memory_space<semaphore_mem>>, %arg20: memref<!tpu.dma_semaphore, #tpu.memory_space<semaphore_mem>>) attributes {dimension_semantics = [#tpu.dimension_semantics<core_parallel>, #tpu.dimension_semantics<subcore_parallel>], iteration_bounds = array<i64: 2, 16>, scalar_prefetch = 0 : i64, scratch_operands = 16 : i64, tpu.core_type = #tpu.core_type<sc_vector_subcore>, window_params = [{transform_indices = #map}, {transform_indices = #map1}, {transform_indices = #map}]} {
    %mul3A = arith.constant 2 : i32
    %mul3A_0 = arith.muli %arg1, %mul3A : i32
    %add3A = arith.addi %mul3A_0, %arg0 : i32
    %mul3A_1 = arith.constant 6400 : i32
    %mul3A_2 = arith.muli %add3A, %mul3A_1 : i32
    "tpu.region"() ({
      %run_scoped3A = tpu.sem_alloc : memref<!tpu.dma_semaphore, #tpu.memory_space<semaphore_mem>>
      %dma_start3A = tpu.memref_slice %arg3[%mul3A_2] : memref<204800xi32, #tpu.memory_space<hbm>> -> memref<6400xi32, #tpu.memory_space<hbm>>
      %dma_start3A_7 = tpu.memref_slice %arg3[%mul3A_2] : memref<204800xi32, #tpu.memory_space<hbm>> -> memref<6400xi32, #tpu.memory_space<hbm>>
      tpu.enqueue_dma source(%dma_start3A_7 : memref<6400xi32, #tpu.memory_space<hbm>>) target(%arg5 : memref<6400xi32, #tpu.memory_space<vmem>>) target_semaphore(%run_scoped3A : memref<!tpu.dma_semaphore, #tpu.memory_space<semaphore_mem>>)
      %dma_wait3A = tpu.memref_slice %arg3[%mul3A_2] : memref<204800xi32, #tpu.memory_space<hbm>> -> memref<6400xi32, #tpu.memory_space<hbm>>
      %dma_wait3A_8 = tpu.memref_slice %arg3[%mul3A_2] : memref<204800xi32, #tpu.memory_space<hbm>> -> memref<6400xi32, #tpu.memory_space<hbm>>
      tpu.wait_dma2 semaphore(%run_scoped3A : memref<!tpu.dma_semaphore, #tpu.memory_space<semaphore_mem>>) src(%dma_wait3A_8 : memref<6400xi32, #tpu.memory_space<hbm>>) dst(%arg5 : memref<6400xi32, #tpu.memory_space<vmem>>)
      tpu.yield
    }) : () -> ()
    %scan3A = arith.constant 0 : i32
    %scan3A_3 = arith.constant 10 : i32
    %scan3A_4 = arith.addi %scan3A, %scan3A_3 : i32
    %scan3A_5 = arith.constant 1 : i32
    scf.for %scan3A_7 = %scan3A to %scan3A_4 step %scan3A_5  : i32 {
      %mul3A_8 = arith.constant 5 : i32
      %mul3A_9 = arith.muli %scan3A_7, %mul3A_8 : i32
      %add3A_10 = arith.constant 0 : i32
      %add3A_11 = arith.addi %add3A_10, %mul3A_9 : i32
      %add3A_12 = arith.constant 0 : i32
      %add3A_13 = arith.addi %add3A_11, %add3A_12 : i32
      %mul3A_14 = arith.constant 128 : i32
      %mul3A_15 = arith.muli %add3A_13, %mul3A_14 : i32
      %dma_start3A = tpu.memref_slice %arg5[%mul3A_15] : memref<6400xi32, #tpu.memory_space<vmem>> -> memref<128xi32, #tpu.memory_space<vmem>>
      %dma_start3A_16 = arith.constant 0 : i32
      %dma_start3A_17 = arith.constant 0 : i32
      %dma_start3A_18 = tpu.memref_slice %arg2[%dma_start3A_16, %dma_start3A_17] : memref<1000000x64xf32, #tpu.memory_space<hbm>> -> memref<1000000x64xf32, #tpu.memory_space<hbm>>
      tpu.enqueue_indirect_dma source(%dma_start3A_18 : memref<1000000x64xf32, #tpu.memory_space<hbm>>) target(%arg6 : memref<128x64xf32, #tpu.memory_space<vmem>>) offsets(%dma_start3A : memref<128xi32, #tpu.memory_space<vmem>>) semaphore(%arg11 : memref<!tpu.dma_semaphore, #tpu.memory_space<semaphore_mem>>)
      %add3A_19 = arith.constant 1 : i32
      %add3A_20 = arith.addi %add3A_11, %add3A_19 : i32
      %mul3A_21 = arith.constant 128 : i32
      %mul3A_22 = arith.muli %add3A_20, %mul3A_21 : i32
      %dma_start3A_23 = tpu.memref_slice %arg5[%mul3A_22] : memref<6400xi32, #tpu.memory_space<vmem>> -> memref<128xi32, #tpu.memory_space<vmem>>
      %dma_start3A_24 = arith.constant 0 : i32
      %dma_start3A_25 = arith.constant 0 : i32
      %dma_start3A_26 = tpu.memref_slice %arg2[%dma_start3A_24, %dma_start3A_25] : memref<1000000x64xf32, #tpu.memory_space<hbm>> -> memref<1000000x64xf32, #tpu.memory_space<hbm>>
      tpu.enqueue_indirect_dma source(%dma_start3A_26 : memref<1000000x64xf32, #tpu.memory_space<hbm>>) target(%arg7 : memref<128x64xf32, #tpu.memory_space<vmem>>) offsets(%dma_start3A_23 : memref<128xi32, #tpu.memory_space<vmem>>) semaphore(%arg12 : memref<!tpu.dma_semaphore, #tpu.memory_space<semaphore_mem>>)
      %add3A_27 = arith.constant 2 : i32
      %add3A_28 = arith.addi %add3A_11, %add3A_27 : i32
      %mul3A_29 = arith.constant 128 : i32
      %mul3A_30 = arith.muli %add3A_28, %mul3A_29 : i32
      %dma_start3A_31 = tpu.memref_slice %arg5[%mul3A_30] : memref<6400xi32, #tpu.memory_space<vmem>> -> memref<128xi32, #tpu.memory_space<vmem>>
      %dma_start3A_32 = arith.constant 0 : i32
      %dma_start3A_33 = arith.constant 0 : i32
      %dma_start3A_34 = tpu.memref_slice %arg2[%dma_start3A_32, %dma_start3A_33] : memref<1000000x64xf32, #tpu.memory_space<hbm>> -> memref<1000000x64xf32, #tpu.memory_space<hbm>>
      tpu.enqueue_indirect_dma source(%dma_start3A_34 : memref<1000000x64xf32, #tpu.memory_space<hbm>>) target(%arg8 : memref<128x64xf32, #tpu.memory_space<vmem>>) offsets(%dma_start3A_31 : memref<128xi32, #tpu.memory_space<vmem>>) semaphore(%arg13 : memref<!tpu.dma_semaphore, #tpu.memory_space<semaphore_mem>>)
      %add3A_35 = arith.constant 3 : i32
      %add3A_36 = arith.addi %add3A_11, %add3A_35 : i32
      %mul3A_37 = arith.constant 128 : i32
      %mul3A_38 = arith.muli %add3A_36, %mul3A_37 : i32
      %dma_start3A_39 = tpu.memref_slice %arg5[%mul3A_38] : memref<6400xi32, #tpu.memory_space<vmem>> -> memref<128xi32, #tpu.memory_space<vmem>>
      %dma_start3A_40 = arith.constant 0 : i32
      %dma_start3A_41 = arith.constant 0 : i32
      %dma_start3A_42 = tpu.memref_slice %arg2[%dma_start3A_40, %dma_start3A_41] : memref<1000000x64xf32, #tpu.memory_space<hbm>> -> memref<1000000x64xf32, #tpu.memory_space<hbm>>
      tpu.enqueue_indirect_dma source(%dma_start3A_42 : memref<1000000x64xf32, #tpu.memory_space<hbm>>) target(%arg9 : memref<128x64xf32, #tpu.memory_space<vmem>>) offsets(%dma_start3A_39 : memref<128xi32, #tpu.memory_space<vmem>>) semaphore(%arg14 : memref<!tpu.dma_semaphore, #tpu.memory_space<semaphore_mem>>)
      %add3A_43 = arith.constant 4 : i32
      %add3A_44 = arith.addi %add3A_11, %add3A_43 : i32
      %mul3A_45 = arith.constant 128 : i32
      %mul3A_46 = arith.muli %add3A_44, %mul3A_45 : i32
      %dma_start3A_47 = tpu.memref_slice %arg5[%mul3A_46] : memref<6400xi32, #tpu.memory_space<vmem>> -> memref<128xi32, #tpu.memory_space<vmem>>
      %dma_start3A_48 = arith.constant 0 : i32
      %dma_start3A_49 = arith.constant 0 : i32
      %dma_start3A_50 = tpu.memref_slice %arg2[%dma_start3A_48, %dma_start3A_49] : memref<1000000x64xf32, #tpu.memory_space<hbm>> -> memref<1000000x64xf32, #tpu.memory_space<hbm>>
      tpu.enqueue_indirect_dma source(%dma_start3A_50 : memref<1000000x64xf32, #tpu.memory_space<hbm>>) target(%arg10 : memref<128x64xf32, #tpu.memory_space<vmem>>) offsets(%dma_start3A_47 : memref<128xi32, #tpu.memory_space<vmem>>) semaphore(%arg15 : memref<!tpu.dma_semaphore, #tpu.memory_space<semaphore_mem>>)
      %add3A_51 = arith.constant 0 : i32
      %add3A_52 = arith.addi %add3A_11, %add3A_51 : i32
      %dma_wait3A = tpu.memref_slice %arg5[%mul3A_15] : memref<6400xi32, #tpu.memory_space<vmem>> -> memref<128xi32, #tpu.memory_space<vmem>>
      %dma_wait3A_53 = arith.constant 0 : i32
      %dma_wait3A_54 = arith.constant 0 : i32
      %dma_wait3A_55 = tpu.memref_slice %arg2[%dma_wait3A_53, %dma_wait3A_54] : memref<1000000x64xf32, #tpu.memory_space<hbm>> -> memref<1000000x64xf32, #tpu.memory_space<hbm>>
      tpu.wait_indirect_dma semaphore(%arg11 : memref<!tpu.dma_semaphore, #tpu.memory_space<semaphore_mem>>) src(%dma_wait3A_55 : memref<1000000x64xf32, #tpu.memory_space<hbm>>) dst(%arg6 : memref<128x64xf32, #tpu.memory_space<vmem>>)
      %mul3A_56 = arith.constant 128 : i32
      %mul3A_57 = arith.muli %add3A_52, %mul3A_56 : i32
      %add3A_58 = arith.addi %mul3A_2, %mul3A_57 : i32
      %dma_start3A_59 = arith.constant 0 : i32
      %dma_start3A_60 = tpu.memref_slice %arg4[%add3A_58, %dma_start3A_59] : memref<204800x64xf32, #tpu.memory_space<hbm>> -> memref<128x64xf32, #tpu.memory_space<hbm>>
      %dma_start3A_61 = arith.constant 0 : i32
      %dma_start3A_62 = tpu.memref_slice %arg4[%add3A_58, %dma_start3A_61] : memref<204800x64xf32, #tpu.memory_space<hbm>> -> memref<128x64xf32, #tpu.memory_space<hbm>>
      tpu.enqueue_dma source(%arg6 : memref<128x64xf32, #tpu.memory_space<vmem>>) target(%dma_start3A_62 : memref<128x64xf32, #tpu.memory_space<hbm>>) target_semaphore(%arg16 : memref<!tpu.dma_semaphore, #tpu.memory_space<semaphore_mem>>)
      %add3A_63 = arith.constant 1 : i32
      %add3A_64 = arith.addi %add3A_11, %add3A_63 : i32
      %dma_wait3A_65 = tpu.memref_slice %arg5[%mul3A_22] : memref<6400xi32, #tpu.memory_space<vmem>> -> memref<128xi32, #tpu.memory_space<vmem>>
      %dma_wait3A_66 = arith.constant 0 : i32
      %dma_wait3A_67 = arith.constant 0 : i32
      %dma_wait3A_68 = tpu.memref_slice %arg2[%dma_wait3A_66, %dma_wait3A_67] : memref<1000000x64xf32, #tpu.memory_space<hbm>> -> memref<1000000x64xf32, #tpu.memory_space<hbm>>
      tpu.wait_indirect_dma semaphore(%arg12 : memref<!tpu.dma_semaphore, #tpu.memory_space<semaphore_mem>>) src(%dma_wait3A_68 : memref<1000000x64xf32, #tpu.memory_space<hbm>>) dst(%arg7 : memref<128x64xf32, #tpu.memory_space<vmem>>)
      %mul3A_69 = arith.constant 128 : i32
      %mul3A_70 = arith.muli %add3A_64, %mul3A_69 : i32
      %add3A_71 = arith.addi %mul3A_2, %mul3A_70 : i32
      %dma_start3A_72 = arith.constant 0 : i32
      %dma_start3A_73 = tpu.memref_slice %arg4[%add3A_71, %dma_start3A_72] : memref<204800x64xf32, #tpu.memory_space<hbm>> -> memref<128x64xf32, #tpu.memory_space<hbm>>
      %dma_start3A_74 = arith.constant 0 : i32
      %dma_start3A_75 = tpu.memref_slice %arg4[%add3A_71, %dma_start3A_74] : memref<204800x64xf32, #tpu.memory_space<hbm>> -> memref<128x64xf32, #tpu.memory_space<hbm>>
      tpu.enqueue_dma source(%arg7 : memref<128x64xf32, #tpu.memory_space<vmem>>) target(%dma_start3A_75 : memref<128x64xf32, #tpu.memory_space<hbm>>) target_semaphore(%arg17 : memref<!tpu.dma_semaphore, #tpu.memory_space<semaphore_mem>>)
      %add3A_76 = arith.constant 2 : i32
      %add3A_77 = arith.addi %add3A_11, %add3A_76 : i32
      %dma_wait3A_78 = tpu.memref_slice %arg5[%mul3A_30] : memref<6400xi32, #tpu.memory_space<vmem>> -> memref<128xi32, #tpu.memory_space<vmem>>
      %dma_wait3A_79 = arith.constant 0 : i32
      %dma_wait3A_80 = arith.constant 0 : i32
      %dma_wait3A_81 = tpu.memref_slice %arg2[%dma_wait3A_79, %dma_wait3A_80] : memref<1000000x64xf32, #tpu.memory_space<hbm>> -> memref<1000000x64xf32, #tpu.memory_space<hbm>>
      tpu.wait_indirect_dma semaphore(%arg13 : memref<!tpu.dma_semaphore, #tpu.memory_space<semaphore_mem>>) src(%dma_wait3A_81 : memref<1000000x64xf32, #tpu.memory_space<hbm>>) dst(%arg8 : memref<128x64xf32, #tpu.memory_space<vmem>>)
      %mul3A_82 = arith.constant 128 : i32
      %mul3A_83 = arith.muli %add3A_77, %mul3A_82 : i32
      %add3A_84 = arith.addi %mul3A_2, %mul3A_83 : i32
      %dma_start3A_85 = arith.constant 0 : i32
      %dma_start3A_86 = tpu.memref_slice %arg4[%add3A_84, %dma_start3A_85] : memref<204800x64xf32, #tpu.memory_space<hbm>> -> memref<128x64xf32, #tpu.memory_space<hbm>>
      %dma_start3A_87 = arith.constant 0 : i32
      %dma_start3A_88 = tpu.memref_slice %arg4[%add3A_84, %dma_start3A_87] : memref<204800x64xf32, #tpu.memory_space<hbm>> -> memref<128x64xf32, #tpu.memory_space<hbm>>
      tpu.enqueue_dma source(%arg8 : memref<128x64xf32, #tpu.memory_space<vmem>>) target(%dma_start3A_88 : memref<128x64xf32, #tpu.memory_space<hbm>>) target_semaphore(%arg18 : memref<!tpu.dma_semaphore, #tpu.memory_space<semaphore_mem>>)
      %add3A_89 = arith.constant 3 : i32
      %add3A_90 = arith.addi %add3A_11, %add3A_89 : i32
      %dma_wait3A_91 = tpu.memref_slice %arg5[%mul3A_38] : memref<6400xi32, #tpu.memory_space<vmem>> -> memref<128xi32, #tpu.memory_space<vmem>>
      %dma_wait3A_92 = arith.constant 0 : i32
      %dma_wait3A_93 = arith.constant 0 : i32
      %dma_wait3A_94 = tpu.memref_slice %arg2[%dma_wait3A_92, %dma_wait3A_93] : memref<1000000x64xf32, #tpu.memory_space<hbm>> -> memref<1000000x64xf32, #tpu.memory_space<hbm>>
      tpu.wait_indirect_dma semaphore(%arg14 : memref<!tpu.dma_semaphore, #tpu.memory_space<semaphore_mem>>) src(%dma_wait3A_94 : memref<1000000x64xf32, #tpu.memory_space<hbm>>) dst(%arg9 : memref<128x64xf32, #tpu.memory_space<vmem>>)
      %mul3A_95 = arith.constant 128 : i32
      %mul3A_96 = arith.muli %add3A_90, %mul3A_95 : i32
      %add3A_97 = arith.addi %mul3A_2, %mul3A_96 : i32
      %dma_start3A_98 = arith.constant 0 : i32
      %dma_start3A_99 = tpu.memref_slice %arg4[%add3A_97, %dma_start3A_98] : memref<204800x64xf32, #tpu.memory_space<hbm>> -> memref<128x64xf32, #tpu.memory_space<hbm>>
      %dma_start3A_100 = arith.constant 0 : i32
      %dma_start3A_101 = tpu.memref_slice %arg4[%add3A_97, %dma_start3A_100] : memref<204800x64xf32, #tpu.memory_space<hbm>> -> memref<128x64xf32, #tpu.memory_space<hbm>>
      tpu.enqueue_dma source(%arg9 : memref<128x64xf32, #tpu.memory_space<vmem>>) target(%dma_start3A_101 : memref<128x64xf32, #tpu.memory_space<hbm>>) target_semaphore(%arg19 : memref<!tpu.dma_semaphore, #tpu.memory_space<semaphore_mem>>)
      %add3A_102 = arith.constant 4 : i32
      %add3A_103 = arith.addi %add3A_11, %add3A_102 : i32
      %dma_wait3A_104 = tpu.memref_slice %arg5[%mul3A_46] : memref<6400xi32, #tpu.memory_space<vmem>> -> memref<128xi32, #tpu.memory_space<vmem>>
      %dma_wait3A_105 = arith.constant 0 : i32
      %dma_wait3A_106 = arith.constant 0 : i32
      %dma_wait3A_107 = tpu.memref_slice %arg2[%dma_wait3A_105, %dma_wait3A_106] : memref<1000000x64xf32, #tpu.memory_space<hbm>> -> memref<1000000x64xf32, #tpu.memory_space<hbm>>
      tpu.wait_indirect_dma semaphore(%arg15 : memref<!tpu.dma_semaphore, #tpu.memory_space<semaphore_mem>>) src(%dma_wait3A_107 : memref<1000000x64xf32, #tpu.memory_space<hbm>>) dst(%arg10 : memref<128x64xf32, #tpu.memory_space<vmem>>)
      %mul3A_108 = arith.constant 128 : i32
      %mul3A_109 = arith.muli %add3A_103, %mul3A_108 : i32
      %add3A_110 = arith.addi %mul3A_2, %mul3A_109 : i32
      %dma_start3A_111 = arith.constant 0 : i32
      %dma_start3A_112 = tpu.memref_slice %arg4[%add3A_110, %dma_start3A_111] : memref<204800x64xf32, #tpu.memory_space<hbm>> -> memref<128x64xf32, #tpu.memory_space<hbm>>
      %dma_start3A_113 = arith.constant 0 : i32
      %dma_start3A_114 = tpu.memref_slice %arg4[%add3A_110, %dma_start3A_113] : memref<204800x64xf32, #tpu.memory_space<hbm>> -> memref<128x64xf32, #tpu.memory_space<hbm>>
      tpu.enqueue_dma source(%arg10 : memref<128x64xf32, #tpu.memory_space<vmem>>) target(%dma_start3A_114 : memref<128x64xf32, #tpu.memory_space<hbm>>) target_semaphore(%arg20 : memref<!tpu.dma_semaphore, #tpu.memory_space<semaphore_mem>>)
      %dma_wait3A_115 = arith.constant 0 : i32
      %dma_wait3A_116 = tpu.memref_slice %arg4[%add3A_58, %dma_wait3A_115] : memref<204800x64xf32, #tpu.memory_space<hbm>> -> memref<128x64xf32, #tpu.memory_space<hbm>>
      %dma_wait3A_117 = arith.constant 0 : i32
      %dma_wait3A_118 = tpu.memref_slice %arg4[%add3A_58, %dma_wait3A_117] : memref<204800x64xf32, #tpu.memory_space<hbm>> -> memref<128x64xf32, #tpu.memory_space<hbm>>
      tpu.wait_dma2 semaphore(%arg16 : memref<!tpu.dma_semaphore, #tpu.memory_space<semaphore_mem>>) src(%arg6 : memref<128x64xf32, #tpu.memory_space<vmem>>) dst(%dma_wait3A_118 : memref<128x64xf32, #tpu.memory_space<hbm>>)
      %dma_wait3A_119 = arith.constant 0 : i32
      %dma_wait3A_120 = tpu.memref_slice %arg4[%add3A_71, %dma_wait3A_119] : memref<204800x64xf32, #tpu.memory_space<hbm>> -> memref<128x64xf32, #tpu.memory_space<hbm>>
      %dma_wait3A_121 = arith.constant 0 : i32
      %dma_wait3A_122 = tpu.memref_slice %arg4[%add3A_71, %dma_wait3A_121] : memref<204800x64xf32, #tpu.memory_space<hbm>> -> memref<128x64xf32, #tpu.memory_space<hbm>>
      tpu.wait_dma2 semaphore(%arg17 : memref<!tpu.dma_semaphore, #tpu.memory_space<semaphore_mem>>) src(%arg7 : memref<128x64xf32, #tpu.memory_space<vmem>>) dst(%dma_wait3A_122 : memref<128x64xf32, #tpu.memory_space<hbm>>)
      %dma_wait3A_123 = arith.constant 0 : i32
      %dma_wait3A_124 = tpu.memref_slice %arg4[%add3A_84, %dma_wait3A_123] : memref<204800x64xf32, #tpu.memory_space<hbm>> -> memref<128x64xf32, #tpu.memory_space<hbm>>
      %dma_wait3A_125 = arith.constant 0 : i32
      %dma_wait3A_126 = tpu.memref_slice %arg4[%add3A_84, %dma_wait3A_125] : memref<204800x64xf32, #tpu.memory_space<hbm>> -> memref<128x64xf32, #tpu.memory_space<hbm>>
      tpu.wait_dma2 semaphore(%arg18 : memref<!tpu.dma_semaphore, #tpu.memory_space<semaphore_mem>>) src(%arg8 : memref<128x64xf32, #tpu.memory_space<vmem>>) dst(%dma_wait3A_126 : memref<128x64xf32, #tpu.memory_space<hbm>>)
      %dma_wait3A_127 = arith.constant 0 : i32
      %dma_wait3A_128 = tpu.memref_slice %arg4[%add3A_97, %dma_wait3A_127] : memref<204800x64xf32, #tpu.memory_space<hbm>> -> memref<128x64xf32, #tpu.memory_space<hbm>>
      %dma_wait3A_129 = arith.constant 0 : i32
      %dma_wait3A_130 = tpu.memref_slice %arg4[%add3A_97, %dma_wait3A_129] : memref<204800x64xf32, #tpu.memory_space<hbm>> -> memref<128x64xf32, #tpu.memory_space<hbm>>
      tpu.wait_dma2 semaphore(%arg19 : memref<!tpu.dma_semaphore, #tpu.memory_space<semaphore_mem>>) src(%arg9 : memref<128x64xf32, #tpu.memory_space<vmem>>) dst(%dma_wait3A_130 : memref<128x64xf32, #tpu.memory_space<hbm>>)
      %dma_wait3A_131 = arith.constant 0 : i32
      %dma_wait3A_132 = tpu.memref_slice %arg4[%add3A_110, %dma_wait3A_131] : memref<204800x64xf32, #tpu.memory_space<hbm>> -> memref<128x64xf32, #tpu.memory_space<hbm>>
      %dma_wait3A_133 = arith.constant 0 : i32
      %dma_wait3A_134 = tpu.memref_slice %arg4[%add3A_110, %dma_wait3A_133] : memref<204800x64xf32, #tpu.memory_space<hbm>> -> memref<128x64xf32, #tpu.memory_space<hbm>>
      tpu.wait_dma2 semaphore(%arg20 : memref<!tpu.dma_semaphore, #tpu.memory_space<semaphore_mem>>) src(%arg10 : memref<128x64xf32, #tpu.memory_space<vmem>>) dst(%dma_wait3A_134 : memref<128x64xf32, #tpu.memory_space<hbm>>)
    }
    %scan3A_6 = arith.constant 10 : i32
    return
  }
}

</mosaic_0001>

<sc_bundles>
// kernel: kernel.3.cloned.1.call-start
scs
__scs_entry_jumppad:
0x0: {  	(pc) =	sbr.rel $0x88, $3  }
0x1: {  	(tag) =	ssettag $0x0;
	lr =	simm.s32 $0x1  }
0x2: {  	[smem:$0x3F9F] =	sst lr;
	_ =	strace $0xD0000000  }
0x3: {  	_ = 	snop  }
0x4: {  	_ = 	snop  }
0x5: {  	_ = 	snop  }
0x6: {  	_ = 	snop  }
0x7: {  	_ = 	snop  }
__scs_overlays_trampoline_lowered:
0x8: {  	[smem:$0x3FAE] =	sst s0  }
0x9: {  	[smem:$0x3FAF] =	sst s1  }
0xa: {  	[smem:$0x3FB0] =	sst s2  }
0xb: {  	[smem:$0x3FB1] =	sst s3  }
0xc: {  	[smem:$0x3FB2] =	sst s4  }
0xd: {  	[smem:$0x3FB3] =	sst s5  }
0xe: {  	[smem:$0x3FB4] =	sst s6  }
0xf: {  	[smem:$0x3FB5] =	sst s7  }
0x10: {  	[smem:$0x3FB6] =	sst s8  }
0x11: {  	[smem:$0x3FB7] =	sst s9;
	s0 =	simm.s32 @!p0 $0x0  }
0x12: {  	s1 =	sld [smem:$0x3F9D];
	s0 =	simm.s32 @p0 $0x1  }
0x13: {  	[smem:$0x3FB8] =	sst s0;
	s0 =	simm.s32 @!p1 $0x0  }
0x14: {  	s2 =	sld [smem:$0x3F9C];
	s0 =	simm.s32 @p1 $0x1  }
0x15: {  	[smem:$0x3FB9] =	sst s0;
	s0 =	simm.s32 @!p2 $0x0  }
0x16: {  	s3 =	sld [smem:$0x3FDB];
	s0 =	simm.s32 @p2 $0x1  }
0x17: {  	s4 =	simm.s32 $0x1BF5;
	[smem:$0x3FBB] =	sst s0  }
0x18: {  	s0 =	sld [smem:$0x3F9E];
	_ =	swait.ge [sflag:s4], $0x0  }
0x19: {  	s7 =	sld [smem:$0x3F9F]  }
0x1a: {  	s8 =	sadd.s32 $0xFFFFE003, lr  }
0x1b: {  	s9 =	sadd.s32 $0xFFFFFEF7, lr;
	s5 =	simm.s32 $0xFFFFFFFF;
	p2 =	slt.u32 s8, $0xFFFFF086  }
0x1c: {  	p1 =	slt.u32 s9, $0xF7A;
	s5 =	simm.s32 @!p2 $0x0  }
0x1d: {  	s5 =	simm.s32 @p1 $0x1;
	p0 =	seq.s32 s7, s2  }
0x1e: {  	s7 =	smul.u32 @!p0 $0xF7A, s2;
	p2 =	seq.s32 @!p0 s5, $0x0  }
0x1f: {  	s9 =	smul.u32 $0xF7A, s1;
	s8 =	simm.s32 @!p0 $0x1BF5;
	p2 =	por !p2, p0  }
0x20: {  	[sflag:s8] =	ssyncset.s32 @!p0 $0xFFFFF086;
	s6 =	sadd.s32 @!p0 s3, s7;
	s7 =	simm.s32 @!p0 $0x108  }
0x21: {  	s3 =	sadd.s32 s3, s9;
	s6 =	sadd.s32 @!p0 $0x88, s6;
	s7 =	simm.s32 @p2 $0x1082  }
0x22: {  	[simem:s7], [sflag:s8] =	dma.local @!p0 [hbm:s6], $0xF7A  }
0x23: {  	s9 =	sor.u32 $0xD0000000, s2;
	s6 =	simm.s32 $0x108;
	_ =	swait.ge @!p0 [sflag:s8], $0x0  }
0x24: {  	s3 =	sadd.s32 $0x88, s3;
	s6 =	simm.s32 @!p1 $0x1082;
	[sflag:s4] =	ssyncset.s32 $0xFFFFF086  }
0x25: {  	[simem:s6], [sflag:s4] =	dma.local [hbm:s3], $0xF7A  }
0x26: {  	[smem:$0x3F9F] =	sst s1;
	(tag) =	ssettag s2;
	_ =	strace s9  }
0x27: {  	s1 =	sld [smem:$0x3FAF]  }
0x28: {  	s2 =	sld [smem:$0x3FB0]  }
0x29: {  	s4 =	sld [smem:$0x3FB2]  }
0x2a: {  	p0 =	seq.s32 s5, $0x0;
	s5 =	sld [smem:$0x3FB3]  }
0x2b: {  	s6 =	sld [smem:$0x3FB4]  }
0x2c: {  	s7 =	sld [smem:$0x3FB5]  }
0x2d: {  	s3 =	simm.s32 $0x108;
	s8 =	sld [smem:$0x3FB6]  }
0x2e: {  	s3 =	simm.s32 @!p0 $0x1082;
	s9 =	sld [smem:$0x3FB7]  }
0x2f: {  	lr =	sadd.s32 s0, s3;
	s0 =	sld [smem:$0x3FAE]  }
0x30: {  	s3 =	sld [smem:$0x3FB1]  }
0x31: {  	[smem:$0x3FBA] =	sst s10  }
0x32: {  	s10 =	sld [smem:$0x3FB8];
	_ =	sdelay $0x3  }
0x33: {  	p0 =	seq.s32 s10, $0x1;
	s10 =	sld [smem:$0x3FBA];
	_ =	sdelay $0x3  }
0x34: {  	[smem:$0x3FBA] =	sst s10  }
0x35: {  	s10 =	sld [smem:$0x3FB9];
	_ =	sdelay $0x3  }
0x36: {  	p1 =	seq.s32 s10, $0x1;
	s10 =	sld [smem:$0x3FBA];
	_ =	sdelay $0x3  }
0x37: {  	[smem:$0x3FBA] =	sst s10  }
0x38: {  	s10 =	sld [smem:$0x3FBB]  }
0x39: {  	_ = 	snop;
	(pc) =	sbr.ind lr, $3  }
0x3a: {  	_ = 	snop  }
0x3b: {  	_ = 	snop  }
0x3c: {  	p2 =	seq.s32 s10, $0x1;
	s10 =	sld [smem:$0x3FBA]  }
0x3d: {  	_ =	shalt  }
0x3e: {  	_ =	shalt  }
0x3f: {  	_ =	shalt  }
0x40: {  	_ =	shalt  }
0x41: {  	_ =	shalt  }
0x42: {  	_ =	shalt  }
0x43: {  	_ =	shalt  }
0x44: {  	_ =	shalt  }
0x45: {  	_ =	shalt  }
0x46: {  	_ =	shalt  }
0x47: {  	_ =	shalt  }
0x48: {  	_ =	shalt  }
0x49: {  	_ =	shalt  }
0x4a: {  	_ =	shalt  }
0x4b: {  	_ =	shalt  }
0x4c: {  	_ =	shalt  }
0x4d: {  	_ =	shalt  }
0x4e: {  	_ =	shalt  }
0x4f: {  	_ =	shalt  }
0x50: {  	_ =	shalt  }
0x51: {  	_ =	shalt  }
0x52: {  	_ =	shalt  }
0x53: {  	_ =	shalt  }
0x54: {  	_ =	shalt  }
0x55: {  	_ =	shalt  }
0x56: {  	_ =	shalt  }
0x57: {  	_ =	shalt  }
0x58: {  	_ =	shalt  }
0x59: {  	_ =	shalt  }
0x5a: {  	_ =	shalt  }
0x5b: {  	_ =	shalt  }
0x5c: {  	_ =	shalt  }
0x5d: {  	_ =	shalt  }
0x5e: {  	_ =	shalt  }
0x5f: {  	_ =	shalt  }
0x60: {  	_ =	shalt  }
0x61: {  	_ =	shalt  }
0x62: {  	_ =	shalt  }
0x63: {  	_ =	shalt  }
0x64: {  	_ =	shalt  }
0x65: {  	_ =	shalt  }
0x66: {  	_ =	shalt  }
0x67: {  	_ =	shalt  }
0x68: {  	_ =	shalt  }
0x69: {  	_ =	shalt  }
0x6a: {  	_ =	shalt  }
0x6b: {  	_ =	shalt  }
0x6c: {  	_ =	shalt  }
0x6d: {  	_ =	shalt  }
0x6e: {  	_ =	shalt  }
0x6f: {  	_ =	shalt  }
0x70: {  	_ =	shalt  }
0x71: {  	_ =	shalt  }
0x72: {  	_ =	shalt  }
0x73: {  	_ =	shalt  }
0x74: {  	_ =	shalt  }
0x75: {  	_ =	shalt  }
0x76: {  	_ =	shalt  }
0x77: {  	_ =	shalt  }
0x78: {  	_ =	shalt  }
0x79: {  	_ =	shalt  }
0x7a: {  	_ =	shalt  }
0x7b: {  	_ =	shalt  }
0x7c: {  	_ =	shalt  }
0x7d: {  	_ =	shalt  }
0x7e: {  	_ =	shalt  }
0x7f: {  	_ =	shalt  }
0x80: {  	_ =	shalt  }
0x81: {  	_ =	shalt  }
0x82: {  	_ =	shalt  }
0x83: {  	_ =	shalt  }
0x84: {  	_ =	shalt  }
0x85: {  	_ =	shalt  }
0x86: {  	_ =	shalt  }
0x87: {  	_ =	shalt  }
.Lfunc_end0:
.L_simem_size_0:
called_computation.1_lowered:
.L_overlay_start_0:
0x88: {  	s2 =	sld [smem:$0x3FD9]  }
0x89: {  	s3 =	sld [smem:$0x3FFE];
	_ =	sdelay $0x1  }
0x8a: {  	s1 =	srdreg.scid  }
0x8b: {  	s0 =	sand.u32 $0x1, s1  }
0x8c: {  	s17 =	sshll.u32 s0, $0xA;
	s2 =	sadd.s32 s3, s2  }
0x8d: {  	s2 =	sadd.s32 s2, s17  }
0x8e: {  	[smem:$0x3FC6] =	sst s2  }
0x8f: {  	_ = 	snop  }
0x90: {  	s2 =	sld [smem:$0x3FC9]  }
0x91: {  	s18 =	sld [smem:$0x3FD0];
	(tm) =	ssettm $0x1  }
0x92: {  	s4 =	sld [smem:$0x3FFB];
	_ =	sdelay $0x3  }
0x93: {  	_ =	strace s4  }
0x94: {  	s4 =	sld [smem:$0x3FFC];
	_ =	sdelay $0x3  }
0x95: {  	_ =	strace s4  }
0x96: {  	s4 =	sld [smem:$0x3FFD];
	_ =	sdelay $0x3  }
0x97: {  	_ =	strace s4  }
0x98: {  	_ =	strace $0x8FFFFFFF  }
0x99: {  	s19 =	sld [smem:$0x3FDB];
	_ =	sdelay $0x1  }
0x9a: {  	s5 =	simm.s32 $_scs_section_size  }
0x9b: {  	s6 =	simm.s32 $_size__tile_overlayer_lowered;
	s7 =	simm.s32 $_tile_overlayer_lowered  }
0x9c: {  	s22 =	simm.s32 $0x1BFF;
	s21 =	sshll.u32 s7, $0x1;
	s4 =	sadd.s32 s5, s19  }
0x9d: {  	s8 =	simm.s32 $0x0;
	s20 =	sshll.u32 s6, $0x1;
	s6 =	sadd.s32 s21, s4  }
0x9e: {  	[timem:s8], [sflag:s22] =	dma.local [hbm:s6], s20  }
0x9f: {  	_ =	swait.ge [sflag:s22], s20  }
0xa0: {  	s5 =	ssub.s32 $0x0, s20;
	[sflag:s22] =	ssyncset.done $0x0  }
0xa1: {  	[sflag:s22] =	ssyncadd.s32 s5;
	_ =	sdelay $0x1  }
0xa2: {  	s23 =	simm.s32 $0x1B8B  }
0xa3: {  	_ =	swait.ge [sflag:s23], $0x1  }
0xa4: {  	[sflag:s23] =	ssyncset.done $0x0  }
0xa5: {  	s25 =	simm.s32 $0x1B8E;
	s24 =	sld [smem:$0x3FFE];
	[sflag:s23] =	ssyncadd.s32 $0xFFFFFFFF  }
0xa6: {  	s26 =	simm.s32 $execute0_lowered;
	[smem:$0x3FD2] =	sst s25  }
0xa7: {  	s6 =	sshll.u32 s26, $0x1;
	_ =	strace $0x80000046;
	[dreg:$0x1] =	wrdreg $0xFFFFFFFF  }
0xa8: {  	s28 =	simm.s32 $_size_execute0_lowered;
	s4 =	sadd.s32 s4, s6;
	[dreg:$0x0] =	wrdreg $0x0  }
0xa9: {  	s6 =	sshll.u32 s28, $0x1;
	[dreg:$0x2] =	wrdreg s4  }
0xaa: {  	[dreg:$0x3] =	wrdreg s6  }
0xab: {  	[dreg:$0x4] =	wrdreg $0xC0  }
0xac: {  	_ =	task [dreg:s8], $0x5FFFF  }
0xad: {  	[dreg:$0x1] =	wrdreg $0xFFFFFFFF  }
0xae: {  	[dreg:$0x0] =	wrdreg $0x60  }
0xaf: {  	[dreg:$0x2] =	wrdreg s24  }
0xb0: {  	[dreg:$0x3] =	wrdreg s2  }
0xb1: {  	[dreg:$0x4] =	wrdreg s18  }
0xb2: {  	[dreg:$0x5] =	wrdreg $0x9  }
0xb3: {  	_ =	task.clear_ibuf [dreg:s8], $0x6FFFF;
	_ =	strace $0x90000046  }
0xb4: {  	s29 =	simm.s32 $0x9;
	_ =	strace $0x80000048  }
0xb5: {  	_ =	swait.ge [sflag:s29], $0x1  }
0xb6: {  	[sflag:s29] =	ssyncadd.s32 $0xFFFFFFFF  }
0xb7: {  	_ =	strace $0x90000048  }
0xb8: {  	_ =	sfence  }
0xb9: {  	s30 =	sld [smem:$0x0];
	_ =	sdelay $0x2  }
0xba: {  	s31 =	sshll.u32 s1, $0xD;
	s1 =	sshrl.u32 s1, $0x2  }
0xbb: {  	s3 =	sand.u32 $0x4000, s31;
	s1 =	sadd.s32 s1, s30  }
0xbc: {  	s0 =	sor.u32 s3, s0;
	s1 =	sshll.u32 s1, $0x11  }
0xbd: {  	s0 =	sor.u32 s1, s0  }
0xbe: {  	s0 =	sadd.s32 $0x8F2B, s0  }
0xbf: {  	[sflag:s0] =	ssyncadd.remote.s32 $0x1  }
0xc0: {  	_ =	sfence.sel $0xFFFF  }
0xc1: {  	[dreg:$0x0] =	wrdreg $0xFFFFFFFF;
	(pc) =	sbr.abs _section_cstart, $3  }
0xc2: {  	[dreg:$0x1] =	wrdreg $0xFFFFFFFF  }
0xc3: {  	_ =	task.clear_ibuf [dreg:s8], $0x2FFFF;
	_ =	strace $0x9FFFFFFF  }
0xc4: {  	(tm) =	ssettm $0x7FFFFFFF  }
0xc5: {  	_ =	shalt  }
tec
execute0_lowered:
.L_overlay_start_1:
0x0: {  	(tag) =	ssettag $0x1  }
0x1: {  	s1 =	rddreg [dreg:$0x0]  }
0x2: {  	s0 =	srdreg.scid;
	s4 =	rddreg [dreg:$0x1]  }
0x3: {  	s10 =	stileid.u32;
	s5 =	rddreg [dreg:$0x2]  }
0x4: {  	s12 =	simm.s32 $0x80;
	s13 =	simm.s32 $0x1900;
	s14 =	simm.s32 $0x3900  }
0x5: {  	s15 =	simm.s32 $0x5900;
	s16 =	simm.s32 $0x7900;
	s17 =	simm.s32 $0x9900  }
0x6: {  	s18 =	simm.s32 $0x1;
	s19 =	simm.s32 $0x2;
	s20 =	simm.s32 $0x3  }
0x7: {  	s21 =	simm.s32 $0x4;
	s22 =	simm.s32 $0x5;
	s7 =	smul.u32 $0x3200, s10  }
0x8: {  	s28 =	simm.s32 $0xA;
	s0 =	sand.u32 $0x1, s0;
	s25 =	smul.u32 $0x19000, s10  }
0x9: {  	s29 =	simm.s32 $0x0;
	s2 =	sshll.u32 s10, $0x1;
	s9 =	smul.u32 $0x1900, s0  }
0xa: {  	s2 =	sor.u32 s0, s2;
	s8 =	ssub.s32 $0x2, s0;
	s0 =	smul.u32 $0xC800, s0  }
0xb: {  	s3 =	sadd.s32 $0xF42C00, s1;
	s6 =	smul.u32 $0x1900, s2;
	s2 =	simm.s32 $0x0  }
0xc: {  	s23 =	sshrl.u32 s8, $0x1;
	s31 =	sadd.s32 s25, s5;
	s25 =	simm.s32 $0x8  }
0xd: {  	[smem:$0x7FF] =	sst s2;
	s1 =	ssub.s32 s8, s23;
	s7 =	sadd.s32 s9, s7  }
0xe: {  	s10 =	sadd.s32 s0, s31;
	s23 =	simm.s32 $0x6;
	_ =	strace $0x80000047  }
0xf: {  	s6 =	sshrl.u32 s6, $0x3;
	s24 =	sshll.u32 s7, $0x3;
	s1 =	smax.u32 s1, $0x1  }
0x10: {  	s4 =	sadd.s32 s4, s6;
	[dreg:$0x5] =	wrdreg s1;
	s26 =	sadd.s32 s24, s5  }
0x11: {  	s24 =	simm.s32 $0x7;
	[dreg:$0x4] =	wrdreg s4;
	s4 =	sadd.s32 $0x1000, s26  }
0x12: {  	s30 =	sadd.s32 $0xC00, s26;
	s8 =	sadd.s32 $0x800, s26;
	[dreg:$0x6] =	wrdreg s4  }
0x13: {  	s9 =	sadd.s32 $0x400, s26;
	s26 =	simm.s32 $0x9;
	[dreg:$0x7] =	wrdreg s30  }
.LBB2_1:
0x14: {  	s0 =	rddreg [dreg:$0x4];
	s1 =	simm.s32 $0xB  }
0x15: {  	[tilespmem:s2], [sflag:$0xB] =	stream.linear.gather [hbm4b:s0+s2], $0x1900, $0x38;
	[tilespmem:$0xB900] =	vst v63  }
0x16: {  	_ =	swait.ge [sflag:s1], $0x1900  }
0x17: {  	[sflag:s1] =	ssyncset.done $0x0  }
0x18: {  	s4 =	simm.s32 $0x0;
	[sflag:s1] =	ssyncadd.s32 $0xFFFFE700  }
0x19: {  	[tilespmem:s13], [sflag:$0x1] =	stream.indirect.gather [hbm4b:s3+s12], $0x40, s4, s12, $0xb8;
	[tilespmem:$0xB900] =	vst v63  }
0x1a: {  	s5 =	simm.s32 $0x80  }
0x1b: {  	[tilespmem:s14], [sflag:$0x2] =	stream.indirect.gather [hbm4b:s3+s12], $0x40, s5, s12, $0xb8;
	[tilespmem:$0xB900] =	vst v63  }
0x1c: {  	s6 =	simm.s32 $0x100  }
0x1d: {  	[tilespmem:s15], [sflag:$0x3] =	stream.indirect.gather [hbm4b:s3+s12], $0x40, s6, s12, $0xb8;
	[tilespmem:$0xB900] =	vst v63  }
0x1e: {  	s7 =	simm.s32 $0x180  }
0x1f: {  	[tilespmem:s16], [sflag:$0x4] =	stream.indirect.gather [hbm4b:s3+s12], $0x40, s7, s12, $0xb8;
	[tilespmem:$0xB900] =	vst v63  }
0x20: {  	s11 =	simm.s32 $0x200  }
0x21: {  	[tilespmem:s17], [sflag:$0x5] =	stream.indirect.gather [hbm4b:s3+s12], $0x40, s11, s12, $0xb8;
	[tilespmem:$0xB900] =	vst v63  }
0x22: {  	_ =	swait.ge [sflag:s18], $0x2000  }
0x23: {  	[sflag:s18] =	ssyncset.done $0x0  }
0x24: {  	[sflag:s18] =	ssyncadd.s32 $0xFFFFE000  }
0x25: {  	[hbm4b:s10+s2] =	stream.linear.scatter [tilespmem:s13], [sflag:$0x6], $0x2000, $0x38;
	[tilespmem:$0xB900] =	vst v63  }
0x26: {  	_ =	swait.ge [sflag:s19], $0x2000  }
0x27: {  	[sflag:s19] =	ssyncset.done $0x0  }
0x28: {  	[sflag:s19] =	ssyncadd.s32 $0xFFFFE000  }
0x29: {  	[hbm4b:s9+s2] =	stream.linear.scatter [tilespmem:s14], [sflag:$0x7], $0x2000, $0x38;
	[tilespmem:$0xB900] =	vst v63  }
0x2a: {  	_ =	swait.ge [sflag:s20], $0x2000  }
0x2b: {  	[sflag:s20] =	ssyncset.done $0x0  }
0x2c: {  	[sflag:s20] =	ssyncadd.s32 $0xFFFFE000  }
0x2d: {  	[hbm4b:s8+s2] =	stream.linear.scatter [tilespmem:s15], [sflag:$0x8], $0x2000, $0x38;
	[tilespmem:$0xB900] =	vst v63  }
0x2e: {  	_ =	swait.ge [sflag:s21], $0x2000  }
0x2f: {  	[sflag:s21] =	ssyncset.done $0x0  }
0x30: {  	s6 =	rddreg [dreg:$0x7];
	[sflag:s21] =	ssyncadd.s32 $0xFFFFE000  }
0x31: {  	[hbm4b:s6+s2] =	stream.linear.scatter [tilespmem:s16], [sflag:$0x9], $0x2000, $0x38;
	[tilespmem:$0xB900] =	vst v63  }
0x32: {  	_ =	swait.ge [sflag:s22], $0x2000  }
0x33: {  	[sflag:s22] =	ssyncset.done $0x0  }
0x34: {  	s1 =	rddreg [dreg:$0x6];
	[sflag:s22] =	ssyncadd.s32 $0xFFFFE000  }
0x35: {  	[hbm4b:s1+s2] =	stream.linear.scatter [tilespmem:s17], [sflag:$0xA], $0x2000, $0x38;
	[tilespmem:$0xB900] =	vst v63  }
0x36: {  	_ =	swait.ge [sflag:s23], $0x2000  }
0x37: {  	[sflag:s23] =	ssyncset.done $0x0  }
0x38: {  	[sflag:s23] =	ssyncadd.s32 $0xFFFFE000  }
0x39: {  	_ =	swait.ge [sflag:s24], $0x2000  }
0x3a: {  	[sflag:s24] =	ssyncset.done $0x0  }
0x3b: {  	[sflag:s24] =	ssyncadd.s32 $0xFFFFE000  }
0x3c: {  	_ =	swait.ge [sflag:s25], $0x2000  }
0x3d: {  	[sflag:s25] =	ssyncset.done $0x0  }
0x3e: {  	[sflag:s25] =	ssyncadd.s32 $0xFFFFE000  }
0x3f: {  	_ =	swait.ge [sflag:s26], $0x2000  }
0x40: {  	s31 =	sadd.s32 $0x1400, s8;
	[sflag:s26] =	ssyncset.done $0x0  }
0x41: {  	s0 =	sadd.s32 $0x1400, s9;
	s4 =	sadd.s32 $0x1400, s10;
	[sflag:s26] =	ssyncadd.s32 $0xFFFFE000  }
0x42: {  	s5 =	simm.s32 $0xA00;
	s11 =	simm.s32 $0x1400;
	_ =	swait.ge [sflag:s28], $0x2000  }
0x43: {  	s30 =	sadd.s32 $0x1400, s1;
	s1 =	sadd.s32 $0x1400, s6;
	[sflag:s28] =	ssyncset.done $0x0  }
.LBB2_2:
0x44: {  	s7 =	sshra.s32 s5, $0x2  }
0x45: {  	[sflag:s28] =	ssyncadd.s32 $0xFFFFE000;
	s5 =	smov.u32 s11;
	s6 =	sadd.s32 $0xA00, s11  }
0x46: {  	[tilespmem:s13], [sflag:$0x1] =	stream.indirect.gather [hbm4b:s3+s12], $0x40, s7, s12, $0xb8;
	[tilespmem:$0xB900] =	vst v63  }
0x47: {  	p0 =	sne.s32 s11, $0x5A00;
	s11 =	sadd.s32 $0x80, s7  }
0x48: {  	[tilespmem:s14], [sflag:$0x2] =	stream.indirect.gather [hbm4b:s3+s12], $0x40, s11, s12, $0xb8;
	[tilespmem:$0xB900] =	vst v63  }
0x49: {  	s11 =	sadd.s32 $0x100, s7  }
0x4a: {  	[tilespmem:s15], [sflag:$0x3] =	stream.indirect.gather [hbm4b:s3+s12], $0x40, s11, s12, $0xb8;
	[tilespmem:$0xB900] =	vst v63  }
0x4b: {  	s11 =	sadd.s32 $0x180, s7  }
0x4c: {  	[tilespmem:s16], [sflag:$0x4] =	stream.indirect.gather [hbm4b:s3+s12], $0x40, s11, s12, $0xb8;
	[tilespmem:$0xB900] =	vst v63  }
0x4d: {  	s7 =	sadd.s32 $0x200, s7  }
0x4e: {  	[tilespmem:s17], [sflag:$0x5] =	stream.indirect.gather [hbm4b:s3+s12], $0x40, s7, s12, $0xb8;
	[tilespmem:$0xB900] =	vst v63  }
0x4f: {  	_ =	swait.ge [sflag:s18], $0x2000  }
0x50: {  	[sflag:s18] =	ssyncset.done $0x0  }
0x51: {  	[sflag:s18] =	ssyncadd.s32 $0xFFFFE000  }
0x52: {  	[hbm4b:s4+s2] =	stream.linear.scatter [tilespmem:s13], [sflag:$0x6], $0x2000, $0x38;
	[tilespmem:$0xB900] =	vst v63  }
0x53: {  	_ =	swait.ge [sflag:s19], $0x2000  }
0x54: {  	[sflag:s19] =	ssyncset.done $0x0  }
0x55: {  	[sflag:s19] =	ssyncadd.s32 $0xFFFFE000  }
0x56: {  	[hbm4b:s0+s2] =	stream.linear.scatter [tilespmem:s14], [sflag:$0x7], $0x2000, $0x38;
	[tilespmem:$0xB900] =	vst v63  }
0x57: {  	_ =	swait.ge [sflag:s20], $0x2000  }
0x58: {  	[sflag:s20] =	ssyncset.done $0x0  }
0x59: {  	[sflag:s20] =	ssyncadd.s32 $0xFFFFE000  }
0x5a: {  	[hbm4b:s31+s2] =	stream.linear.scatter [tilespmem:s15], [sflag:$0x8], $0x2000, $0x38;
	[tilespmem:$0xB900] =	vst v63  }
0x5b: {  	_ =	swait.ge [sflag:s21], $0x2000  }
0x5c: {  	[sflag:s21] =	ssyncset.done $0x0  }
0x5d: {  	[sflag:s21] =	ssyncadd.s32 $0xFFFFE000  }
0x5e: {  	[hbm4b:s1+s2] =	stream.linear.scatter [tilespmem:s16], [sflag:$0x9], $0x2000, $0x38;
	[tilespmem:$0xB900] =	vst v63  }
0x5f: {  	_ =	swait.ge [sflag:s22], $0x2000  }
0x60: {  	[sflag:s22] =	ssyncset.done $0x0  }
0x61: {  	[sflag:s22] =	ssyncadd.s32 $0xFFFFE000  }
0x62: {  	[hbm4b:s30+s2] =	stream.linear.scatter [tilespmem:s17], [sflag:$0xA], $0x2000, $0x38;
	[tilespmem:$0xB900] =	vst v63  }
0x63: {  	_ =	swait.ge [sflag:s23], $0x2000  }
0x64: {  	[sflag:s23] =	ssyncset.done $0x0  }
0x65: {  	[sflag:s23] =	ssyncadd.s32 $0xFFFFE000  }
0x66: {  	_ =	swait.ge [sflag:s24], $0x2000  }
0x67: {  	[sflag:s24] =	ssyncset.done $0x0  }
0x68: {  	[sflag:s24] =	ssyncadd.s32 $0xFFFFE000  }
0x69: {  	_ =	swait.ge [sflag:s25], $0x2000  }
0x6a: {  	[sflag:s25] =	ssyncset.done $0x0  }
0x6b: {  	[sflag:s25] =	ssyncadd.s32 $0xFFFFE000  }
.Ltmp0:
0x6c: {  	_ =	swait.ge [sflag:s26], $0x2000;
	(pc) =	sbr.rel @p0 .LBB2_2-.Ltmp0, $4  }
0x6d: {  	[sflag:s26] =	ssyncset.done $0x0  }
0x6e: {  	s11 =	smov.u32 s6;
	s4 =	sadd.s32 $0x1400, s4;
	[sflag:s26] =	ssyncadd.s32 $0xFFFFE000  }
0x6f: {  	s0 =	sadd.s32 $0x1400, s0;
	s31 =	sadd.s32 $0x1400, s31;
	_ =	swait.ge [sflag:s28], $0x2000  }
0x70: {  	s1 =	sadd.s32 $0x1400, s1;
	s30 =	sadd.s32 $0x1400, s30;
	[sflag:s28] =	ssyncset.done $0x0  }
0x71: {  	s5 =	sshra.s32 s5, $0x2;
	[sflag:s28] =	ssyncadd.s32 $0xFFFFE000  }
0x72: {  	[tilespmem:s13], [sflag:$0x1] =	stream.indirect.gather [hbm4b:s3+s12], $0x40, s5, s12, $0xb8;
	[tilespmem:$0xB900] =	vst v63  }
0x73: {  	s6 =	sadd.s32 $0x80, s5  }
0x74: {  	[tilespmem:s14], [sflag:$0x2] =	stream.indirect.gather [hbm4b:s3+s12], $0x40, s6, s12, $0xb8;
	[tilespmem:$0xB900] =	vst v63  }
0x75: {  	s7 =	sadd.s32 $0x100, s5  }
0x76: {  	[tilespmem:s15], [sflag:$0x3] =	stream.indirect.gather [hbm4b:s3+s12], $0x40, s7, s12, $0xb8;
	[tilespmem:$0xB900] =	vst v63  }
0x77: {  	s11 =	sadd.s32 $0x180, s5  }
0x78: {  	[tilespmem:s16], [sflag:$0x4] =	stream.indirect.gather [hbm4b:s3+s12], $0x40, s11, s12, $0xb8;
	[tilespmem:$0xB900] =	vst v63  }
0x79: {  	s5 =	sadd.s32 $0x200, s5  }
0x7a: {  	[tilespmem:s17], [sflag:$0x5] =	stream.indirect.gather [hbm4b:s3+s12], $0x40, s5, s12, $0xb8;
	[tilespmem:$0xB900] =	vst v63  }
0x7b: {  	_ =	swait.ge [sflag:s18], $0x2000  }
0x7c: {  	[sflag:s18] =	ssyncset.done $0x0  }
0x7d: {  	[sflag:s18] =	ssyncadd.s32 $0xFFFFE000  }
0x7e: {  	[hbm4b:s4+s2] =	stream.linear.scatter [tilespmem:s13], [sflag:$0x6], $0x2000, $0x38;
	[tilespmem:$0xB900] =	vst v63  }
0x7f: {  	_ =	swait.ge [sflag:s19], $0x2000  }
0x80: {  	[sflag:s19] =	ssyncset.done $0x0  }
0x81: {  	[sflag:s19] =	ssyncadd.s32 $0xFFFFE000  }
0x82: {  	[hbm4b:s0+s2] =	stream.linear.scatter [tilespmem:s14], [sflag:$0x7], $0x2000, $0x38;
	[tilespmem:$0xB900] =	vst v63  }
0x83: {  	_ =	swait.ge [sflag:s20], $0x2000  }
0x84: {  	[sflag:s20] =	ssyncset.done $0x0  }
0x85: {  	[sflag:s20] =	ssyncadd.s32 $0xFFFFE000  }
0x86: {  	[hbm4b:s31+s2] =	stream.linear.scatter [tilespmem:s15], [sflag:$0x8], $0x2000, $0x38;
	[tilespmem:$0xB900] =	vst v63  }
0x87: {  	_ =	swait.ge [sflag:s21], $0x2000  }
0x88: {  	[sflag:s21] =	ssyncset.done $0x0  }
0x89: {  	[sflag:s21] =	ssyncadd.s32 $0xFFFFE000  }
0x8a: {  	[hbm4b:s1+s2] =	stream.linear.scatter [tilespmem:s16], [sflag:$0x9], $0x2000, $0x38;
	[tilespmem:$0xB900] =	vst v63  }
0x8b: {  	_ =	swait.ge [sflag:s22], $0x2000  }
0x8c: {  	[sflag:s22] =	ssyncset.done $0x0  }
0x8d: {  	[sflag:s22] =	ssyncadd.s32 $0xFFFFE000  }
0x8e: {  	[hbm4b:s30+s2] =	stream.linear.scatter [tilespmem:s17], [sflag:$0xA], $0x2000, $0x38;
	[tilespmem:$0xB900] =	vst v63  }
0x8f: {  	_ =	swait.ge [sflag:s23], $0x2000  }
0x90: {  	[sflag:s23] =	ssyncset.done $0x0  }
0x91: {  	[sflag:s23] =	ssyncadd.s32 $0xFFFFE000  }
0x92: {  	_ =	swait.ge [sflag:s24], $0x2000  }
0x93: {  	[sflag:s24] =	ssyncset.done $0x0  }
0x94: {  	[sflag:s24] =	ssyncadd.s32 $0xFFFFE000  }
0x95: {  	_ =	swait.ge [sflag:s25], $0x2000  }
0x96: {  	[sflag:s25] =	ssyncset.done $0x0  }
0x97: {  	[sflag:s25] =	ssyncadd.s32 $0xFFFFE000  }
0x98: {  	_ =	swait.ge [sflag:s26], $0x2000  }
0x99: {  	[sflag:s26] =	ssyncset.done $0x0  }
0x9a: {  	[sflag:s26] =	ssyncadd.s32 $0xFFFFE000  }
0x9b: {  	_ =	swait.ge [sflag:s28], $0x2000  }
0x9c: {  	s29 =	sadd.s32 $0x1, s29;
	s31 =	rddreg [dreg:$0x5]  }
0x9d: {  	p0 =	sne.s32 s29, s31  }
.Ltmp1:
0x9e: {  	_ = 	snop;
	(pc) =	sbr.rel @p0 .LBB2_1-.Ltmp1, $3  }
0x9f: {  	_ =	sdelay $0x1  }
0xa0: {  	[sflag:s28] =	ssyncset.done $0x0  }
0xa1: {  	[sflag:s28] =	ssyncadd.s32 $0xFFFFE000  }
0xa2: {  	_ =	sfence.sel $0x180000  }
0xa3: {  	[bflag:$0x0] =	sbarrier.arrive $0xFFFF  }
0xa4: {  	_ =	strace $0x90000047  }
0xa5: {  	s0 =	stileid.u32;
	[bflag:$0x2] =	sbarrier.arrive $0xFFFF  }
0xa6: {  	p0 =	sne.s32 s0, $0x0;
	s0 =	rddreg [dreg:$0x3]  }
0xa7: {  	s0 =	sadd.s32 @!p0 $0x100000, s0  }
0xa8: {  	[sflag:s0] =	ssyncadd.tile.s32 @!p0 $0x1;
	_ =	shalt  }
.Lfunc_end2:
_tile_overlayer_lowered:
.L_overlay_start_2:
0xa9: {  	(tag) =	ssettag $0x2  }
0xaa: {  	s0 =	rddreg [dreg:$0x0];
	s2 =	stileid.u32  }
0xab: {  	s1 =	rddreg [dreg:$0x1];
	p0 =	sne.s32 s2, $0x0  }
0xac: {  	s3 =	rddreg [dreg:$0x2];
	[bflag:$0x3] =	sbarrier.arrive $0xFFFF;
	s2 =	simm.s32 @!p0 $0x1C0B  }
0xad: {  	[timem:s3], [sflag:s2] =	dma.local @!p0 [hbm:s0], s1  }
0xae: {  	s0 =	simm.s32 @!p0 $0xB  }
0xaf: {  	_ =	swait.ge @!p0 [sflag:s0], s1  }
0xb0: {  	s1 =	ssub.s32 @!p0 $0x0, s1;
	[sflag:s0] =	ssyncset.done @!p0 $0x0  }
0xb1: {  	[sflag:s0] =	ssyncadd.s32 @!p0 s1  }
0xb2: {  	[bflag:$0x3] =	sbarrier.arrive $0xFFFF  }
0xb3: {  	_ =	shalt  }

// kernel: sparse-core-data-format-call.cloned.1.call-start
scs
called_computation_lowered:
.L_overlay_start_0:
0x0: {  	s2 =	sld [smem:$0x3FD9]  }
0x1: {  	s3 =	sld [smem:$0x3FFE];
	_ =	sdelay $0x1  }
0x2: {  	s1 =	srdreg.scid  }
0x3: {  	s0 =	sand.u32 $0x1, s1  }
0x4: {  	s18 =	sshll.u32 s0, $0xA;
	s2 =	sadd.s32 s3, s2  }
0x5: {  	s2 =	sadd.s32 s2, s18  }
0x6: {  	[smem:$0x3FC6] =	sst s2  }
0x7: {  	_ = 	snop  }
0x8: {  	s2 =	sld [smem:$0x3FD0];
	(tm) =	ssettm $0x1  }
0x9: {  	s19 =	sld [smem:$0x3FFB];
	_ =	sdelay $0x3  }
0xa: {  	_ =	strace s19  }
0xb: {  	s3 =	sld [smem:$0x3FFC];
	_ =	sdelay $0x3  }
0xc: {  	_ =	strace s3  }
0xd: {  	s3 =	sld [smem:$0x3FFD];
	_ =	sdelay $0x3  }
0xe: {  	_ =	strace s3  }
0xf: {  	_ =	strace $0x8FFFFFFF  }
0x10: {  	s20 =	sld [smem:$0x3FDB];
	_ =	sdelay $0x1  }
0x11: {  	s4 =	simm.s32 $_scs_section_size  }
0x12: {  	s5 =	simm.s32 $_size__tile_overlayer_lowered;
	s6 =	simm.s32 $_tile_overlayer_lowered  }
0x13: {  	s23 =	simm.s32 $0x1BFF;
	s22 =	sshll.u32 s6, $0x1;
	s3 =	sadd.s32 s4, s20  }
0x14: {  	s7 =	simm.s32 $0x0;
	s21 =	sshll.u32 s5, $0x1;
	s5 =	sadd.s32 s22, s3  }
0x15: {  	[timem:s7], [sflag:s23] =	dma.local [hbm:s5], s21  }
0x16: {  	_ =	swait.ge [sflag:s23], s21  }
0x17: {  	s4 =	ssub.s32 $0x0, s21;
	[sflag:s23] =	ssyncset.done $0x0  }
0x18: {  	[sflag:s23] =	ssyncadd.s32 s4;
	_ =	sdelay $0x1  }
0x19: {  	s24 =	simm.s32 $0x1B8B  }
0x1a: {  	_ =	swait.ge [sflag:s24], $0x1  }
0x1b: {  	[sflag:s24] =	ssyncset.done $0x0  }
0x1c: {  	s26 =	simm.s32 $0x1B8E;
	s25 =	sld [smem:$0x3FFE];
	[sflag:s24] =	ssyncadd.s32 $0xFFFFFFFF  }
0x1d: {  	s27 =	simm.s32 $execute0_lowered;
	[smem:$0x3FD2] =	sst s26  }
0x1e: {  	s5 =	sshll.u32 s27, $0x1;
	_ =	strace $0x80000049;
	[dreg:$0x1] =	wrdreg $0xFFFFFFFF  }
0x1f: {  	s28 =	simm.s32 $_size_execute0_lowered;
	s3 =	sadd.s32 s3, s5;
	[dreg:$0x0] =	wrdreg $0x0  }
0x20: {  	s5 =	sshll.u32 s28, $0x1;
	[dreg:$0x2] =	wrdreg s3  }
0x21: {  	[dreg:$0x3] =	wrdreg s5  }
0x22: {  	[dreg:$0x4] =	wrdreg $0xC0  }
0x23: {  	_ =	task [dreg:s7], $0x5FFFF  }
0x24: {  	[dreg:$0x1] =	wrdreg $0xFFFFFFFF  }
0x25: {  	[dreg:$0x0] =	wrdreg $0x60  }
0x26: {  	[dreg:$0x2] =	wrdreg s25  }
0x27: {  	[dreg:$0x3] =	wrdreg s2  }
0x28: {  	[dreg:$0x4] =	wrdreg $0x9  }
0x29: {  	_ =	task.clear_ibuf [dreg:s7], $0x5FFFF;
	_ =	strace $0x90000049  }
0x2a: {  	s29 =	simm.s32 $0x9;
	_ =	strace $0x8000004B  }
0x2b: {  	_ =	swait.ge [sflag:s29], $0x1  }
0x2c: {  	[sflag:s29] =	ssyncadd.s32 $0xFFFFFFFF  }
0x2d: {  	_ =	strace $0x9000004B  }
0x2e: {  	_ =	sfence  }
0x2f: {  	s30 =	sld [smem:$0x0];
	_ =	sdelay $0x2  }
0x30: {  	s31 =	sshll.u32 s1, $0xD;
	s1 =	sshrl.u32 s1, $0x2  }
0x31: {  	s3 =	sand.u32 $0x4000, s31;
	s1 =	sadd.s32 s1, s30  }
0x32: {  	s0 =	sor.u32 s3, s0;
	s1 =	sshll.u32 s1, $0x11  }
0x33: {  	s0 =	sor.u32 s1, s0  }
0x34: {  	s0 =	sadd.s32 $0x8F2B, s0  }
0x35: {  	[sflag:s0] =	ssyncadd.remote.s32 $0x1  }
0x36: {  	_ =	sfence.sel $0xFFFF  }
0x37: {  	[dreg:$0x0] =	wrdreg $0xFFFFFFFF;
	(pc) =	sbr.abs _section_cstart, $3  }
0x38: {  	[dreg:$0x1] =	wrdreg $0xFFFFFFFF  }
0x39: {  	_ =	task.clear_ibuf [dreg:s7], $0x2FFFF;
	_ =	strace $0x9FFFFFFF  }
0x3a: {  	(tm) =	ssettm $0x7FFFFFFF  }
0x3b: {  	_ =	shalt  }
tec
execute0_lowered:
.L_overlay_start_1:
0x0: {  	(tag) =	ssettag $0x1  }
0x1: {  	s7 =	rddreg [dreg:$0x0]  }
0x2: {  	s2 =	rddreg [dreg:$0x1]  }
0x3: {  	s0 =	stileid.u32;
	s1 =	srdreg.scid;
	s31 =	simm.s32 $0x2  }
0x4: {  	s14 =	simm.s32 $0x0;
	s15 =	simm.s32 $0x0;
	s13 =	simm.s32 $0x0  }
0x5: {  	s3 =	sshll.u32 s0, $0x5;
	s4 =	sshll.u32 s1, $0x9;
	s5 =	sshll.u32 s0, $0x1  }
0x6: {  	s1 =	rddreg [dreg:$0x2];
	s4 =	sor.u32 s3, s4;
	s3 =	sand.u32 $0x6, s5  }
0x7: {  	_ =	strace $0x8000004A;
	s4 =	sand.u32 $0x380, s4;
	s5 =	ssub.s32 $0xC8, s3  }
0x8: {  	s12 =	smov.u32 s3;
	s8 =	sshll.u32 s4, $0x4;
	s6 =	sand.u32 $0x6, s5  }
0x9: {  	s9 =	ssub.s32 $0x400, s4;
	s11 =	sshrl.u32 s5, $0x3;
	s5 =	simm.s32 $0x1  }
0xa: {  	p0 =	sne.s32 s6, $0x0;
	s6 =	simm.s32 $0x1;
	s10 =	sand.u32 $0x380, s9  }
0xb: {  	s6 =	simm.s32 @!p0 $0x0;
	p0 =	sne.s32 s10, $0x0;
	s10 =	simm.s32 $0x1  }
.Ltmp0:
0xc: {  	s9 =	sshrl.u32 s9, $0xA;
	s10 =	simm.s32 @!p0 $0x0;
	(pc) =	sbr.rel .LBB1_1-.Ltmp0, $4  }
0xd: {  	[sflag:s5] =	ssyncpa.u1 $0x0;
	s6 =	sadd.s32 s6, s11;
	s9 =	sadd.s32 s10, s9  }
0xe: {  	s8 =	sadd.s32 s8, s7;
	[sflag:s31] =	ssyncpa.u1 $0x0;
	s6 =	smul.u32 s6, s9  }
0xf: {  	s7 =	sadd.s32 $0x800, s8;
	s8 =	sadd.s32 $0x4800, s8;
	p0 =	por $0x0, $0x0  }
0x10: {  	s11 =	simm.s32 $0x2000;
	s10 =	simm.s32 $0x400;
	s9 =	sadd.s32 $0x1, s6  }
.LBB1_7:
0x11: {  	s16 =	sadd.s32 $0x8, s12  }
0x12: {  	p2 =	sgt.s32 s16, $0xC7  }
0x13: {  	s16 =	smov.u32 @p2 s3;
	p2 =	sne.s32 s13, s9  }
.Ltmp1:
0x14: {  	p1 =	slt.u32 s13, $0x2;
	(pc) =	sbr.rel @!p2 .LBB1_8-.Ltmp1, $4  }
0x15: {  	s14 =	simm.s32 @!p1 $0x2  }
0x16: {  	s17 =	sadd.s32 $0x1, s13;
	s15 =	smov.u32 s12;
	_ =	swait.ge @!p1 [sflag:s14], $0x4000  }
0x17: {  	p0 =	por !p0, !p0;
	s13 =	smov.u32 s17;
	[sflag:s14] =	ssyncset.done @!p1 $0x0  }
0x18: {  	s12 =	smov.u32 s16;
	[sflag:s14] =	ssyncadd.s32 @!p1 $0xFFFFC000;
	s14 =	smov.u32 s4  }
.LBB1_1:
0x19: {  	p1 =	sge.u32 s13, s6  }
0x1a: {  	s16 =	sxor.u32 @!p1 $0xFFFFFFFF, s13  }
0x1b: {  	s17 =	sshll.u32 @!p1 s12, $0xE;
	s19 =	simm.s32 @!p1 $0x40;
	s16 =	sshll.u32 @!p1 s16, $0xE  }
0x1c: {  	s20 =	simm.s32 @!p1 $0x80;
	s18 =	sadd.s32 @!p1 s17, s7;
	s16 =	sand.u32 @!p1 $0x4000, s16  }
0x1d: {  	[tilespmem:s16], [sflag:$0x1] =	stream.strided.gather @!p1 [hbm4b:s18+s19], $0x2000, s20, s19, $0x38;
	[tilespmem:$0x10100] =	vst v63  }
0x1e: {  	s31 =	sadd.s32 $0xFFFFFFFF, s13;
	s17 =	sadd.s32 @!p1 s17, s8;
	s16 =	sor.u32 @!p1 $0x2000, s16  }
0x1f: {  	[tilespmem:s16], [sflag:$0x1] =	stream.strided.gather @!p1 [hbm4b:s17+s19], $0x2000, s20, s19, $0x38;
	[tilespmem:$0x10100] =	vst v63  }
0x20: {  	p1 =	sge.u32 s31, s6  }
.Ltmp2:
0x21: {  	_ = 	snop;
	(pc) =	sbr.rel @p1 .LBB1_7-.Ltmp2, $1  }
0x22: {  	_ =	sdelay $0x3  }
0x23: {  	s16 =	simm.s32 $0x1;
	s18 =	sand.u32 $0x1, s13  }
0x24: {  	_ =	swait.ge [sflag:s5], $0x4000;
	s16 =	simm.s32 @!p0 $0x0;
	s18 =	smul.u32 $0x10200, s18  }
0x25: {  	p2 =	por $0x1, $0x1;
	[sflag:s5] =	ssyncset.done $0x0;
	s17 =	smul.u32 $0x10200, s16  }
0x26: {  	s19 =	sshll.u32 s16, $0x10;
	[sflag:s5] =	ssyncadd.s32 $0xFFFFC000;
	s30 =	sshrl.u32 s18, $0x2  }
0x27: {  	s31 =	sshrl.u32 s19, $0x2;
	s19 =	simm.s32 $0x0;
	s17 =	sshrl.u32 s17, $0x2  }
0x28: {  	s16 =	sor.u32 $0x8000, s30;
	s18 =	sadd.s32 $0x20, s31;
	s17 =	sor.u32 $0x8000, s17  }
.LBB1_3:
0x29: {  	s20 =	sshll.u32 s19, $0xD  }
0x2a: {  	s20 =	sand.u32 $0x3FFFE000, s20  }
0x2b: {  	s22 =	sadd.s32 s20, s18  }
0x2c: {  	s31 =	smul.u32 $0x8100, s19;
	v3 =	vld [tilespmem:s22+$0x10]  }
0x2d: {  	v1 =	vld [tilespmem:s22+$0xFFFFFFF0]  }
0x2e: {  	s19 =	sshra.s32 s31, $0x2;
	v0 =	vld [tilespmem:s22+$0x0]  }
0x2f: {  	s19 =	sadd.s32 s19, s17;
	v2 =	vld [tilespmem:s22+$0xFFFFFFE0]  }
0x30: {  	s20 =	sadd.s32 $0x0, s19  }
0x31: {  	p1 =	por p2, p2;
	s21 =	simm.s32 $0x4;
	s22 =	sadd.s32 $0x40, s22;
	[tilespmem:s20+$0x1830 ss:$0x81] =	vst.msk $0xffff, v3  }
.LBB1_4:
0x32: {  	v3 =	vld [tilespmem:s22+$0x10];
	p2 =	sne.s32 s21, $0x1FC;
	[tilespmem:s20+$0x810 ss:$0x81] =	vst.msk $0xffff, v1;
	s23 =	smov.u32 s21;
	s21 =	sadd.s32 $0x4, s21  }
.Ltmp3:
0x33: {  	v1 =	vld [tilespmem:s22+$0xFFFFFFF0];
	[tilespmem:s20+$0x1020 ss:$0x81] =	vst.msk $0xffff, v0;
	(pc) =	sbr.rel @p2 .LBB1_4-.Ltmp3, $4  }
0x34: {  	v0 =	vld [tilespmem:s22+$0x0];
	[tilespmem:s20+$0x0 ss:$0x81] =	vst.msk $0xffff, v2  }
0x35: {  	s20 =	sshra.s32 s23, $0x2;
	v2 =	vld [tilespmem:s22+$0xFFFFFFE0]  }
0x36: {  	s20 =	sadd.s32 s20, s19  }
0x37: {  	s22 =	sadd.s32 $0x40, s22;
	[tilespmem:s20+$0x1830 ss:$0x81] =	vst.msk $0xffff, v3  }
.Ltmp4:
0x38: {  	(pc) =	sbr.rel @p1 .LBB1_3-.Ltmp4, $4  }
0x39: {  	_ = 	snop  }
0x3a: {  	[tilespmem:s20+$0x810 ss:$0x81] =	vst.msk $0xffff, v1  }
0x3b: {  	[tilespmem:s20+$0x1020 ss:$0x81] =	vst.msk $0xffff, v0  }
0x3c: {  	s19 =	simm.s32 $0x1;
	p2 =	por $0x0, $0x0;
	[tilespmem:s20+$0x0 ss:$0x81] =	vst.msk $0xffff, v2  }
.Ltmp5:
0x3d: {  	(pc) =	sbr.rel .LBB1_7-.Ltmp5, $4  }
0x3e: {  	_ = 	snop  }
0x3f: {  	s15 =	sshll.u32 s15, $0xD;
	s14 =	sadd.s32 s2, s14  }
0x40: {  	s14 =	sadd.s32 s15, s14  }
0x41: {  	[hbm4b:s14+s10] =	stream.strided.scatter [tilespmem:s16], [sflag:$0x2], $0x4000, s11, s10, $0x20;
	[tilespmem:$0x10100] =	vst v63  }
.LBB1_8:
0x42: {  	_ =	sfence.sel $0x180000  }
0x43: {  	s2 =	simm.s32 $0x1;
	[bflag:$0x0] =	sbarrier.arrive $0xFFFF  }
0x44: {  	s31 =	simm.s32 $0x2;
	[sflag:s2] =	ssyncpa.u1 $0x1  }
0x45: {  	[sflag:s31] =	ssyncpa.u1 $0x1  }
0x46: {  	p0 =	sne.s32 s0, $0x0;
	_ =	strace $0x9000004A  }
0x47: {  	s0 =	sadd.s32 @!p0 $0x100000, s1;
	[bflag:$0x2] =	sbarrier.arrive $0xFFFF  }
0x48: {  	[sflag:s0] =	ssyncadd.tile.s32 @!p0 $0x1;
	_ =	shalt  }
.Lfunc_end1:
_tile_overlayer_lowered:
.L_overlay_start_2:
0x49: {  	(tag) =	ssettag $0x2  }
0x4a: {  	s0 =	rddreg [dreg:$0x0];
	s2 =	stileid.u32  }
0x4b: {  	s1 =	rddreg [dreg:$0x1];
	p0 =	sne.s32 s2, $0x0  }
0x4c: {  	s3 =	rddreg [dreg:$0x2];
	[bflag:$0x3] =	sbarrier.arrive $0xFFFF;
	s2 =	simm.s32 @!p0 $0x1C01  }
0x4d: {  	[timem:s3], [sflag:s2] =	dma.local @!p0 [hbm:s0], s1  }
0x4e: {  	s0 =	simm.s32 @!p0 $0x1  }
0x4f: {  	_ =	swait.ge @!p0 [sflag:s0], s1  }
0x50: {  	s1 =	ssub.s32 @!p0 $0x0, s1;
	[sflag:s0] =	ssyncset.done @!p0 $0x0  }
0x51: {  	[sflag:s0] =	ssyncadd.s32 @!p0 s1  }
0x52: {  	[bflag:$0x3] =	sbarrier.arrive $0xFFFF  }
0x53: {  	_ =	shalt  }

</sc_bundles>
